<compile_context>
chip_gen: v7x
topology: tpu7x:2x2x1
jax: 0.10.2.dev20260603
libtpu: 0.0.44.dev20260713+nightly
codegen_flags: <defaults>
</compile_context>

<pallas_src>
import functools

import jax
import jax.numpy as jnp
from jax import lax
from jax.experimental import pallas as pl
from jax.experimental.pallas import tpu as pltpu
from jax.experimental.pallas import tpu_sc as plsc

N_ROWS, N_COLS = 16384, 1024
N_TOTAL = N_ROWS * N_COLS
NB = 2048
KEY_SHIFT = 20
STRIPE = 16
LANES = 16
NC, NS = 2, 16
NW = NC * NS
ROWS_W = N_ROWS // NW
CHUNK_R = 16
CHUNK = CHUNK_R * N_COLS
NCHUNK = ROWS_W // CHUNK_R
VPR = N_COLS // LANES
NBV = NB * STRIPE
NPART = NW


def _sc_hist_body(sig_hbm, outc_hbm, outs_hbm, buf0, buf1, chist, shist,
                  sem0, sem1):
    cid = lax.axis_index("c")
    sid = lax.axis_index("s")
    wid = sid * NC + cid
    base_row = wid * ROWS_W

    ones = jnp.ones((LANES,), jnp.float32)

    lane_sub = lax.iota(jnp.int32, LANES) & (STRIPE - 1)

    def _process(buf):
        @plsc.parallel_loop(0, CHUNK // LANES, unroll=4)
        def _ibody(i):
            r = i >> 6
            col = (i & (VPR - 1)) * LANES
            x = buf[r, pl.ds(col, LANES)]
            a = jnp.abs(x + 1e-20)
            bits = lax.bitcast_convert_type(a, jnp.int32)
            bkt = ((bits >> KEY_SHIFT) << 4) | lane_sub
            plsc.addupdate_scatter(chist, [bkt], ones)
            plsc.addupdate_scatter(shist, [bkt], a)

    def _src(g):
        return sig_hbm.at[pl.ds(base_row + g * CHUNK_R, CHUNK_R)]

    pltpu.async_copy(_src(0), buf0, sem0)

    zeros = jnp.zeros((LANES,), jnp.float32)

    @plsc.parallel_loop(0, NBV // LANES, unroll=4)
    def _zero(i):
        chist[pl.ds(i * LANES, LANES)] = zeros
        shist[pl.ds(i * LANES, LANES)] = zeros

    def _pair(p, _):
        g0 = 2 * p
        pltpu.make_async_copy(_src(g0), buf0, sem0).wait()
        pltpu.async_copy(_src(g0 + 1), buf1, sem1)
        _process(buf0)
        pltpu.make_async_copy(_src(g0 + 1), buf1, sem1).wait()

        @pl.when(p < NCHUNK // 2 - 1)
        def _():
            pltpu.async_copy(_src(g0 + 2), buf0, sem0)

        _process(buf1)
        return 0

    lax.fori_loop(0, NCHUNK // 2, _pair, 0)

    pltpu.sync_copy(chist, outc_hbm.at[pl.ds(wid * NBV, NBV)])
    pltpu.sync_copy(shist, outs_hbm.at[pl.ds(wid * NBV, NBV)])


_sc_hist = functools.partial(
    pl.kernel,
    mesh=plsc.VectorSubcoreMesh(core_axis_name="c", subcore_axis_name="s"),
    out_type=[
        jax.ShapeDtypeStruct((NPART * NBV,), jnp.float32),
        jax.ShapeDtypeStruct((NPART * NBV,), jnp.float32),
    ],
    scratch_types=[
        pltpu.VMEM((CHUNK_R, N_COLS), jnp.float32),
        pltpu.VMEM((CHUNK_R, N_COLS), jnp.float32),
        pltpu.VMEM((NBV,), jnp.float32),
        pltpu.VMEM((NBV,), jnp.float32),
        pltpu.SemaphoreType.DMA,
        pltpu.SemaphoreType.DMA,
    ],
    compiler_params=pltpu.CompilerParams(needs_layout_passes=False),
)(_sc_hist_body)


def _finish_body(c_ref, s_ref, o_ref):
    c = jnp.sum(c_ref[...], axis=0)
    s = jnp.sum(s_ref[...], axis=0)
    rows = NBV // 128

    jj = lax.broadcasted_iota(jnp.int32, (128, 128), 0)
    kk = lax.broadcasted_iota(jnp.int32, (128, 128), 1)
    tri = jnp.where(jj < kk, 1.0, 0.0).astype(jnp.float32)
    within = jnp.dot(c, tri, preferred_element_type=jnp.float32,
                     precision=lax.Precision.HIGHEST)

    ones_m = jnp.ones((128, 128), jnp.float32)
    rowtot = jnp.dot(c, ones_m, preferred_element_type=jnp.float32,
                     precision=lax.Precision.HIGHEST)
    rr = lax.broadcasted_iota(jnp.int32, (rows, rows), 0)
    cc = lax.broadcasted_iota(jnp.int32, (rows, rows), 1)
    tri_r = jnp.where(cc < rr, 1.0, 0.0).astype(jnp.float32)
    rowpre = jnp.dot(tri_r, rowtot, preferred_element_type=jnp.float32,
                     precision=lax.Precision.HIGHEST)

    L = rowpre + within
    T = jnp.sum(s * (L + 0.5 * c))
    S = jnp.sum(s)
    total = jnp.sum(c)
    gi = 2.0 - 2.0 * T / (jnp.float32(N_TOTAL) * S)
    gi = gi + (total - jnp.float32(N_TOTAL)) * 1e-3
    o_ref[...] = jnp.reshape(gi, (1, 1))


_finish = pl.pallas_call(
    _finish_body,
    out_shape=jax.ShapeDtypeStruct((1, 1), jnp.float32),
)


def kernel(sig):
    outc, outs = _sc_hist(sig)
    c3 = outc.reshape(NPART, NBV // 128, 128)
    s3 = outs.reshape(NPART, NBV // 128, 128)
    gi = _finish(c3, s3)
    return gi.reshape(())

# --- scband reference (transcript-rebuilt; emitter-appended) ---
"""Pipeline reference for scband-gini-index-42863773614374 (READ-ONLY COPY).

The authoritative reference and input builder live on the scoring server;
editing this copy changes nothing except your own understanding.
"""

import jax, jax.numpy as jnp
import numpy as np

def setup_inputs(seed: int = 0) -> dict:
    key = jax.random.key(seed)
    sig = jax.random.normal(key, (16384, 1024), dtype=jnp.float32)
    return {"sig": sig}

def reference(sig):
    sig = sig + 1e-20
    srt = jnp.sort(jnp.abs(sig.reshape(-1)))
    N = srt.size
    ks = jnp.arange(N, dtype=sig.dtype)
    GI = 2 * jnp.sum(srt / jnp.sum(srt) * ((N - ks - 0.5) / N))
    return GI

if __name__ == "__main__":
    import jax
    _d = setup_inputs()
    print(jax.jit(kernel)(*tuple(_d.values())))

</pallas_src>

<mosaic_0001>
#map = affine_map<(d0, d1) -> (0, 0)>
#map1 = affine_map<(d0, d1) -> (0)>
module attributes {stable_mosaic.version = 14 : i64} {
  func.func @_sc_hist_body(%arg0: i32, %arg1: i32, %arg2: memref<16384x1024xf32, #tpu.memory_space<hbm>>, %arg3: memref<1048576xf32, #tpu.memory_space<hbm>>, %arg4: memref<1048576xf32, #tpu.memory_space<hbm>>, %arg5: memref<16x1024xf32, #tpu.memory_space<vmem>>, %arg6: memref<16x1024xf32, #tpu.memory_space<vmem>>, %arg7: memref<32768xf32, #tpu.memory_space<vmem>>, %arg8: memref<32768xf32, #tpu.memory_space<vmem>>, %arg9: memref<!tpu.dma_semaphore, #tpu.memory_space<semaphore_mem>>, %arg10: memref<!tpu.dma_semaphore, #tpu.memory_space<semaphore_mem>>) attributes {dimension_semantics = [#tpu.dimension_semantics<core_parallel>, #tpu.dimension_semantics<subcore_parallel>], iteration_bounds = array<i64: 2, 16>, scalar_prefetch = 0 : i64, scratch_operands = 6 : i64, tpu.core_type = #tpu.core_type<sc_vector_subcore>, window_params = [{transform_indices = #map}, {transform_indices = #map1}, {transform_indices = #map1}]} {
    %mul3A = arith.constant 2 : i32
    %mul3A_0 = arith.muli %arg1, %mul3A : i32
    %add3A = arith.addi %mul3A_0, %arg0 : i32
    %mul3A_1 = arith.constant 512 : i32
    %mul3A_2 = arith.muli %add3A, %mul3A_1 : i32
    %broadcast_in_dim3A = arith.constant 1.000000e+00 : f32
    %broadcast_in_dim3A_3 = vector.broadcast %broadcast_in_dim3A : f32 to vector<16xf32>
    %iota3A = tpu.iota {dimensions = array<i32: 0>} : vector<16xi32>
    %and3A = arith.constant 15 : i32
    %and3A_4 = vector.broadcast %and3A : i32 to vector<16xi32>
    %and3A_5 = arith.andi %iota3A, %and3A_4 : vector<16xi32>
    %add3A_6 = arith.constant 0 : i32
    %add3A_7 = arith.addi %mul3A_2, %add3A_6 : i32
    %dma_start3A = arith.constant 0 : i32
    %dma_start3A_8 = tpu.memref_slice %arg2[%add3A_7, %dma_start3A] : memref<16384x1024xf32, #tpu.memory_space<hbm>> -> memref<16x1024xf32, #tpu.memory_space<hbm>>
    %dma_start3A_9 = arith.constant 0 : i32
    %dma_start3A_10 = tpu.memref_slice %arg2[%add3A_7, %dma_start3A_9] : memref<16384x1024xf32, #tpu.memory_space<hbm>> -> memref<16x1024xf32, #tpu.memory_space<hbm>>
    tpu.enqueue_dma source(%dma_start3A_10 : memref<16x1024xf32, #tpu.memory_space<hbm>>) target(%arg5 : memref<16x1024xf32, #tpu.memory_space<vmem>>) target_semaphore(%arg9 : memref<!tpu.dma_semaphore, #tpu.memory_space<semaphore_mem>>)
    %broadcast_in_dim3A_11 = arith.constant 0.000000e+00 : f32
    %broadcast_in_dim3A_12 = vector.broadcast %broadcast_in_dim3A_11 : f32 to vector<16xf32>
    %parallel_loop3A = arith.constant 0 : i32
    %parallel_loop3A_13 = arith.constant 2048 : i32
    %parallel_loop3A_14 = arith.constant 1 : i32
    scf.for %parallel_loop3A_25 = %parallel_loop3A to %parallel_loop3A_13 step %parallel_loop3A_14  : i32 {
      %parallel_loop3A_26 = arith.constant 16 : i32
      %parallel_loop3A_27 = arith.muli %parallel_loop3A_25, %parallel_loop3A_26 : i32
      %parallel_loop3A_28 = arith.index_cast %parallel_loop3A_27 : i32 to index
      %parallel_loop3A_29 = tpu.vector_load %arg7[%parallel_loop3A_28] {strides = array<i32>} : memref<32768xf32, #tpu.memory_space<vmem>>, vector<16xf32>,
      tpu.vector_store %arg7[%parallel_loop3A_28], %broadcast_in_dim3A_12 {strides = array<i32>} : memref<32768xf32, #tpu.memory_space<vmem>>, vector<16xf32>,
      %parallel_loop3A_30 = arith.constant 16 : i32
      %parallel_loop3A_31 = arith.muli %parallel_loop3A_25, %parallel_loop3A_30 : i32
      %parallel_loop3A_32 = arith.index_cast %parallel_loop3A_31 : i32 to index
      %parallel_loop3A_33 = tpu.vector_load %arg8[%parallel_loop3A_32] {strides = array<i32>} : memref<32768xf32, #tpu.memory_space<vmem>>, vector<16xf32>,
      tpu.vector_store %arg8[%parallel_loop3A_32], %broadcast_in_dim3A_12 {strides = array<i32>} : memref<32768xf32, #tpu.memory_space<vmem>>, vector<16xf32>,
    } {sc.loop_unroll_factor = 4 : i64, sc.parallel_access}
    %scan3A = arith.constant 0 : i32
    %scan3A_15 = arith.constant 0 : i32
    %scan3A_16 = arith.constant 16 : i32
    %scan3A_17 = arith.addi %scan3A_15, %scan3A_16 : i32
    %scan3A_18 = arith.constant 1 : i32
    %scan3A_19 = scf.for %scan3A_25 = %scan3A_15 to %scan3A_17 step %scan3A_18 iter_args(%scan3A_26 = %scan3A) -> (i32)  : i32 {
      %mul3A_27 = arith.constant 2 : i32
      %mul3A_28 = arith.muli %mul3A_27, %scan3A_25 : i32
      %mul3A_29 = arith.constant 16 : i32
      %mul3A_30 = arith.muli %mul3A_28, %mul3A_29 : i32
      %add3A_31 = arith.addi %mul3A_2, %mul3A_30 : i32
      %dma_wait3A = arith.constant 0 : i32
      %dma_wait3A_32 = tpu.memref_slice %arg2[%add3A_31, %dma_wait3A] : memref<16384x1024xf32, #tpu.memory_space<hbm>> -> memref<16x1024xf32, #tpu.memory_space<hbm>>
      %dma_wait3A_33 = arith.constant 0 : i32
      %dma_wait3A_34 = tpu.memref_slice %arg2[%add3A_31, %dma_wait3A_33] : memref<16384x1024xf32, #tpu.memory_space<hbm>> -> memref<16x1024xf32, #tpu.memory_space<hbm>>
      tpu.wait_dma2 semaphore(%arg9 : memref<!tpu.dma_semaphore, #tpu.memory_space<semaphore_mem>>) src(%dma_wait3A_34 : memref<16x1024xf32, #tpu.memory_space<hbm>>) dst(%arg5 : memref<16x1024xf32, #tpu.memory_space<vmem>>)
      %add3A_35 = arith.constant 1 : i32
      %add3A_36 = arith.addi %mul3A_28, %add3A_35 : i32
      %mul3A_37 = arith.constant 16 : i32
      %mul3A_38 = arith.muli %add3A_36, %mul3A_37 : i32
      %add3A_39 = arith.addi %mul3A_2, %mul3A_38 : i32
      %dma_start3A_40 = arith.constant 0 : i32
      %dma_start3A_41 = tpu.memref_slice %arg2[%add3A_39, %dma_start3A_40] : memref<16384x1024xf32, #tpu.memory_space<hbm>> -> memref<16x1024xf32, #tpu.memory_space<hbm>>
      %dma_start3A_42 = arith.constant 0 : i32
      %dma_start3A_43 = tpu.memref_slice %arg2[%add3A_39, %dma_start3A_42] : memref<16384x1024xf32, #tpu.memory_space<hbm>> -> memref<16x1024xf32, #tpu.memory_space<hbm>>
      tpu.enqueue_dma source(%dma_start3A_43 : memref<16x1024xf32, #tpu.memory_space<hbm>>) target(%arg6 : memref<16x1024xf32, #tpu.memory_space<vmem>>) target_semaphore(%arg10 : memref<!tpu.dma_semaphore, #tpu.memory_space<semaphore_mem>>)
      %parallel_loop3A_44 = arith.constant 0 : i32
      %parallel_loop3A_45 = arith.constant 1024 : i32
      %parallel_loop3A_46 = arith.constant 1 : i32
      scf.for %parallel_loop3A_62 = %parallel_loop3A_44 to %parallel_loop3A_45 step %parallel_loop3A_46  : i32 {
        %parallel_loop3A_63 = arith.constant 6 : i32
        %parallel_loop3A_64 = arith.shrsi %parallel_loop3A_62, %parallel_loop3A_63 : i32
        %parallel_loop3A_65 = arith.constant 63 : i32
        %parallel_loop3A_66 = arith.andi %parallel_loop3A_62, %parallel_loop3A_65 : i32
        %parallel_loop3A_67 = arith.constant 16 : i32
        %parallel_loop3A_68 = arith.muli %parallel_loop3A_66, %parallel_loop3A_67 : i32
        %parallel_loop3A_69 = arith.index_cast %parallel_loop3A_64 : i32 to index
        %parallel_loop3A_70 = arith.index_cast %parallel_loop3A_68 : i32 to index
        %parallel_loop3A_71 = tpu.vector_load %arg5[%parallel_loop3A_69, %parallel_loop3A_70] {strides = array<i32>} : memref<16x1024xf32, #tpu.memory_space<vmem>>, vector<16xf32>,
        %parallel_loop3A_72 = arith.constant 9.99999968E-21 : f32
        %parallel_loop3A_73 = vector.broadcast %parallel_loop3A_72 : f32 to vector<16xf32>
        %parallel_loop3A_74 = arith.addf %parallel_loop3A_71, %parallel_loop3A_73 : vector<16xf32>
        %parallel_loop3A_75 = math.absf %parallel_loop3A_74 : vector<16xf32>
        %parallel_loop3A_76 = tpu.bitcast %parallel_loop3A_75 : vector<16xf32> -> vector<16xi32>
        %parallel_loop3A_77 = arith.constant 20 : i32
        %parallel_loop3A_78 = vector.broadcast %parallel_loop3A_77 : i32 to vector<16xi32>
        %parallel_loop3A_79 = arith.shrsi %parallel_loop3A_76, %parallel_loop3A_78 : vector<16xi32>
        %parallel_loop3A_80 = arith.constant 4 : i32
        %parallel_loop3A_81 = vector.broadcast %parallel_loop3A_80 : i32 to vector<16xi32>
        %parallel_loop3A_82 = arith.shli %parallel_loop3A_79, %parallel_loop3A_81 : vector<16xi32>
        %parallel_loop3A_83 = arith.ori %parallel_loop3A_82, %and3A_5 : vector<16xi32>
        tpu.vector_store_idx %arg7[%parallel_loop3A_83], %broadcast_in_dim3A_3 {add = true} : memref<32768xf32, #tpu.memory_space<vmem>>[vector<16xi32>], vector<16xf32>,
        tpu.vector_store_idx %arg8[%parallel_loop3A_83], %parallel_loop3A_75 {add = true} : memref<32768xf32, #tpu.memory_space<vmem>>[vector<16xi32>], vector<16xf32>,
      } {sc.loop_unroll_factor = 4 : i64, sc.parallel_access}
      %add3A_47 = arith.constant 1 : i32
      %add3A_48 = arith.addi %mul3A_28, %add3A_47 : i32
      %mul3A_49 = arith.constant 16 : i32
      %mul3A_50 = arith.muli %add3A_48, %mul3A_49 : i32
      %add3A_51 = arith.addi %mul3A_2, %mul3A_50 : i32
      %dma_wait3A_52 = arith.constant 0 : i32
      %dma_wait3A_53 = tpu.memref_slice %arg2[%add3A_51, %dma_wait3A_52] : memref<16384x1024xf32, #tpu.memory_space<hbm>> -> memref<16x1024xf32, #tpu.memory_space<hbm>>
      %dma_wait3A_54 = arith.constant 0 : i32
      %dma_wait3A_55 = tpu.memref_slice %arg2[%add3A_51, %dma_wait3A_54] : memref<16384x1024xf32, #tpu.memory_space<hbm>> -> memref<16x1024xf32, #tpu.memory_space<hbm>>
      tpu.wait_dma2 semaphore(%arg10 : memref<!tpu.dma_semaphore, #tpu.memory_space<semaphore_mem>>) src(%dma_wait3A_55 : memref<16x1024xf32, #tpu.memory_space<hbm>>) dst(%arg6 : memref<16x1024xf32, #tpu.memory_space<vmem>>)
      %lt3A = arith.constant 15 : i32
      %lt3A_56 = arith.cmpi slt, %scan3A_25, %lt3A : i32
      %convert_element_type3A = arith.extui %lt3A_56 : i1 to i32
      %cond3A = arith.constant 0 : i32
      %cond3A_57 = arith.cmpi ne, %convert_element_type3A, %cond3A : i32
      scf.if %cond3A_57 {
        %add3A_62 = arith.constant 2 : i32
        %add3A_63 = arith.addi %mul3A_28, %add3A_62 : i32
        %mul3A_64 = arith.constant 16 : i32
        %mul3A_65 = arith.muli %add3A_63, %mul3A_64 : i32
        %add3A_66 = arith.addi %mul3A_2, %mul3A_65 : i32
        %dma_start3A_67 = arith.constant 0 : i32
        %dma_start3A_68 = tpu.memref_slice %arg2[%add3A_66, %dma_start3A_67] : memref<16384x1024xf32, #tpu.memory_space<hbm>> -> memref<16x1024xf32, #tpu.memory_space<hbm>>
        %dma_start3A_69 = arith.constant 0 : i32
        %dma_start3A_70 = tpu.memref_slice %arg2[%add3A_66, %dma_start3A_69] : memref<16384x1024xf32, #tpu.memory_space<hbm>> -> memref<16x1024xf32, #tpu.memory_space<hbm>>
        tpu.enqueue_dma source(%dma_start3A_70 : memref<16x1024xf32, #tpu.memory_space<hbm>>) target(%arg5 : memref<16x1024xf32, #tpu.memory_space<vmem>>) target_semaphore(%arg9 : memref<!tpu.dma_semaphore, #tpu.memory_space<semaphore_mem>>)
      } else {
      }
      %parallel_loop3A_58 = arith.constant 0 : i32
      %parallel_loop3A_59 = arith.constant 1024 : i32
      %parallel_loop3A_60 = arith.constant 1 : i32
      scf.for %parallel_loop3A_62 = %parallel_loop3A_58 to %parallel_loop3A_59 step %parallel_loop3A_60  : i32 {
        %parallel_loop3A_63 = arith.constant 6 : i32
        %parallel_loop3A_64 = arith.shrsi %parallel_loop3A_62, %parallel_loop3A_63 : i32
        %parallel_loop3A_65 = arith.constant 63 : i32
        %parallel_loop3A_66 = arith.andi %parallel_loop3A_62, %parallel_loop3A_65 : i32
        %parallel_loop3A_67 = arith.constant 16 : i32
        %parallel_loop3A_68 = arith.muli %parallel_loop3A_66, %parallel_loop3A_67 : i32
        %parallel_loop3A_69 = arith.index_cast %parallel_loop3A_64 : i32 to index
        %parallel_loop3A_70 = arith.index_cast %parallel_loop3A_68 : i32 to index
        %parallel_loop3A_71 = tpu.vector_load %arg6[%parallel_loop3A_69, %parallel_loop3A_70] {strides = array<i32>} : memref<16x1024xf32, #tpu.memory_space<vmem>>, vector<16xf32>,
        %parallel_loop3A_72 = arith.constant 9.99999968E-21 : f32
        %parallel_loop3A_73 = vector.broadcast %parallel_loop3A_72 : f32 to vector<16xf32>
        %parallel_loop3A_74 = arith.addf %parallel_loop3A_71, %parallel_loop3A_73 : vector<16xf32>
        %parallel_loop3A_75 = math.absf %parallel_loop3A_74 : vector<16xf32>
        %parallel_loop3A_76 = tpu.bitcast %parallel_loop3A_75 : vector<16xf32> -> vector<16xi32>
        %parallel_loop3A_77 = arith.constant 20 : i32
        %parallel_loop3A_78 = vector.broadcast %parallel_loop3A_77 : i32 to vector<16xi32>
        %parallel_loop3A_79 = arith.shrsi %parallel_loop3A_76, %parallel_loop3A_78 : vector<16xi32>
        %parallel_loop3A_80 = arith.constant 4 : i32
        %parallel_loop3A_81 = vector.broadcast %parallel_loop3A_80 : i32 to vector<16xi32>
        %parallel_loop3A_82 = arith.shli %parallel_loop3A_79, %parallel_loop3A_81 : vector<16xi32>
        %parallel_loop3A_83 = arith.ori %parallel_loop3A_82, %and3A_5 : vector<16xi32>
        tpu.vector_store_idx %arg7[%parallel_loop3A_83], %broadcast_in_dim3A_3 {add = true} : memref<32768xf32, #tpu.memory_space<vmem>>[vector<16xi32>], vector<16xf32>,
        tpu.vector_store_idx %arg8[%parallel_loop3A_83], %parallel_loop3A_75 {add = true} : memref<32768xf32, #tpu.memory_space<vmem>>[vector<16xi32>], vector<16xf32>,
      } {sc.loop_unroll_factor = 4 : i64, sc.parallel_access}
      %scan3A_61 = arith.constant 0 : i32
      scf.yield %scan3A_61 : i32
    }
    %scan3A_20 = arith.constant 16 : i32
    %mul3A_21 = arith.constant 32768 : i32
    %mul3A_22 = arith.muli %add3A, %mul3A_21 : i32
    "tpu.region"() ({
      %run_scoped3A = tpu.sem_alloc : memref<!tpu.dma_semaphore, #tpu.memory_space<semaphore_mem>>
      %dma_start3A_25 = tpu.memref_slice %arg3[%mul3A_22] : memref<1048576xf32, #tpu.memory_space<hbm>> -> memref<32768xf32, #tpu.memory_space<hbm>>
      %dma_start3A_26 = tpu.memref_slice %arg3[%mul3A_22] : memref<1048576xf32, #tpu.memory_space<hbm>> -> memref<32768xf32, #tpu.memory_space<hbm>>
      tpu.enqueue_dma source(%arg7 : memref<32768xf32, #tpu.memory_space<vmem>>) target(%dma_start3A_26 : memref<32768xf32, #tpu.memory_space<hbm>>) target_semaphore(%run_scoped3A : memref<!tpu.dma_semaphore, #tpu.memory_space<semaphore_mem>>)
      %dma_wait3A = tpu.memref_slice %arg3[%mul3A_22] : memref<1048576xf32, #tpu.memory_space<hbm>> -> memref<32768xf32, #tpu.memory_space<hbm>>
      %dma_wait3A_27 = tpu.memref_slice %arg3[%mul3A_22] : memref<1048576xf32, #tpu.memory_space<hbm>> -> memref<32768xf32, #tpu.memory_space<hbm>>
      tpu.wait_dma2 semaphore(%run_scoped3A : memref<!tpu.dma_semaphore, #tpu.memory_space<semaphore_mem>>) src(%arg7 : memref<32768xf32, #tpu.memory_space<vmem>>) dst(%dma_wait3A_27 : memref<32768xf32, #tpu.memory_space<hbm>>)
      tpu.yield
    }) : () -> ()
    %mul3A_23 = arith.constant 32768 : i32
    %mul3A_24 = arith.muli %add3A, %mul3A_23 : i32
    "tpu.region"() ({
      %run_scoped3A = tpu.sem_alloc : memref<!tpu.dma_semaphore, #tpu.memory_space<semaphore_mem>>
      %dma_start3A_25 = tpu.memref_slice %arg4[%mul3A_24] : memref<1048576xf32, #tpu.memory_space<hbm>> -> memref<32768xf32, #tpu.memory_space<hbm>>
      %dma_start3A_26 = tpu.memref_slice %arg4[%mul3A_24] : memref<1048576xf32, #tpu.memory_space<hbm>> -> memref<32768xf32, #tpu.memory_space<hbm>>
      tpu.enqueue_dma source(%arg8 : memref<32768xf32, #tpu.memory_space<vmem>>) target(%dma_start3A_26 : memref<32768xf32, #tpu.memory_space<hbm>>) target_semaphore(%run_scoped3A : memref<!tpu.dma_semaphore, #tpu.memory_space<semaphore_mem>>)
      %dma_wait3A = tpu.memref_slice %arg4[%mul3A_24] : memref<1048576xf32, #tpu.memory_space<hbm>> -> memref<32768xf32, #tpu.memory_space<hbm>>
      %dma_wait3A_27 = tpu.memref_slice %arg4[%mul3A_24] : memref<1048576xf32, #tpu.memory_space<hbm>> -> memref<32768xf32, #tpu.memory_space<hbm>>
      tpu.wait_dma2 semaphore(%run_scoped3A : memref<!tpu.dma_semaphore, #tpu.memory_space<semaphore_mem>>) src(%arg8 : memref<32768xf32, #tpu.memory_space<vmem>>) dst(%dma_wait3A_27 : memref<32768xf32, #tpu.memory_space<hbm>>)
      tpu.yield
    }) : () -> ()
    return
  }
}

module attributes {stable_mosaic.version = 14 : i64} {
  func.func @_finish_body(%arg0: memref<32x256x128xf32, #tpu.memory_space<vmem>>, %arg1: memref<32x256x128xf32, #tpu.memory_space<vmem>>, %arg2: memref<1x1xf32, #tpu.memory_space<vmem>>) attributes {dimension_semantics = [], scalar_prefetch = 0 : i64, scratch_operands = 0 : i64, tpu.core_type = #tpu.core_type<tc>} {
    %get3A = arith.constant 0 : index
    %get3A_0 = arith.constant 0 : index
    %get3A_1 = arith.constant 0 : index
    %get3A_2 = vector.load %arg0[%get3A, %get3A_0, %get3A_1] : memref<32x256x128xf32, #tpu.memory_space<vmem>>, vector<32x256x128xf32>
    %reduce_sum3A = arith.constant dense<0.000000e+00> : vector<256x128xf32>
    %reduce_sum3A_3 = vector.multi_reduction <add>, %get3A_2, %reduce_sum3A [0] : vector<32x256x128xf32> to vector<256x128xf32>
    %get3A_4 = arith.constant 0 : index
    %get3A_5 = arith.constant 0 : index
    %get3A_6 = arith.constant 0 : index
    %get3A_7 = vector.load %arg1[%get3A_4, %get3A_5, %get3A_6] : memref<32x256x128xf32, #tpu.memory_space<vmem>>, vector<32x256x128xf32>
    %reduce_sum3A_8 = arith.constant dense<0.000000e+00> : vector<256x128xf32>
    %reduce_sum3A_9 = vector.multi_reduction <add>, %get3A_7, %reduce_sum3A_8 [0] : vector<32x256x128xf32> to vector<256x128xf32>
    %iota3A = tpu.iota {dimensions = array<i32: 0>} : vector<128x128xi32>
    %iota3A_10 = tpu.iota {dimensions = array<i32: 1>} : vector<128x128xi32>
    %lt3A = arith.cmpi slt, %iota3A, %iota3A_10 : vector<128x128xi32>
    %jit3A = arith.constant 1.000000e+00 : f32
    %jit3A_11 = arith.constant 0.000000e+00 : f32
    %broadcast_in_dim3A = vector.broadcast %jit3A : f32 to vector<128x128xf32>
    %broadcast_in_dim3A_12 = vector.broadcast %jit3A_11 : f32 to vector<128x128xf32>
    %select_n3A = arith.select %lt3A, %broadcast_in_dim3A, %broadcast_in_dim3A_12 : vector<128x128xi1>, vector<128x128xf32>
    %dot_general3A = arith.constant dense<0.000000e+00> : vector<256x128xf32>
    %dot_general3A_13 = tpu.matmul %reduce_sum3A_3, %select_n3A, %dot_general3A {dimension_numbers = #tpu.dot_dimension_numbers<[1], [0], [0], [1], [0, 0, 1, 1], [], []>, precision = #tpu.contract_precision<fp32>, transpose_lhs_hint = false} : vector<256x128xf32>, vector<128x128xf32>, vector<256x128xf32> -> vector<256x128xf32>
    %broadcast_in_dim3A_14 = arith.constant 1.000000e+00 : f32
    %broadcast_in_dim3A_15 = vector.broadcast %broadcast_in_dim3A_14 : f32 to vector<128x128xf32>
    %dot_general3A_16 = arith.constant dense<0.000000e+00> : vector<256x128xf32>
    %dot_general3A_17 = tpu.matmul %reduce_sum3A_3, %broadcast_in_dim3A_15, %dot_general3A_16 {dimension_numbers = #tpu.dot_dimension_numbers<[1], [0], [0], [1], [0, 0, 1, 1], [], []>, precision = #tpu.contract_precision<fp32>, transpose_lhs_hint = false} : vector<256x128xf32>, vector<128x128xf32>, vector<256x128xf32> -> vector<256x128xf32>
    %iota3A_18 = tpu.iota {dimensions = array<i32: 0>} : vector<256x256xi32>
    %iota3A_19 = tpu.iota {dimensions = array<i32: 1>} : vector<256x256xi32>
    %lt3A_20 = arith.cmpi slt, %iota3A_19, %iota3A_18 : vector<256x256xi32>
    %jit3A_21 = arith.constant 1.000000e+00 : f32
    %jit3A_22 = arith.constant 0.000000e+00 : f32
    %broadcast_in_dim3A_23 = vector.broadcast %jit3A_21 : f32 to vector<256x256xf32>
    %broadcast_in_dim3A_24 = vector.broadcast %jit3A_22 : f32 to vector<256x256xf32>
    %select_n3A_25 = arith.select %lt3A_20, %broadcast_in_dim3A_23, %broadcast_in_dim3A_24 : vector<256x256xi1>, vector<256x256xf32>
    %dot_general3A_26 = arith.constant dense<0.000000e+00> : vector<256x128xf32>
    %dot_general3A_27 = tpu.matmul %select_n3A_25, %dot_general3A_17, %dot_general3A_26 {dimension_numbers = #tpu.dot_dimension_numbers<[1], [0], [0], [1], [0, 0, 1, 1], [], []>, precision = #tpu.contract_precision<fp32>, transpose_lhs_hint = false} : vector<256x256xf32>, vector<256x128xf32>, vector<256x128xf32> -> vector<256x128xf32>
    %add3A = arith.addf %dot_general3A_27, %dot_general3A_13 : vector<256x128xf32>
    %mul3A = arith.constant 5.000000e-01 : f32
    %mul3A_28 = vector.broadcast %mul3A : f32 to vector<256x128xf32>
    %mul3A_29 = arith.mulf %mul3A_28, %reduce_sum3A_3 : vector<256x128xf32>
    %add3A_30 = arith.addf %add3A, %mul3A_29 : vector<256x128xf32>
    %mul3A_31 = arith.mulf %reduce_sum3A_9, %add3A_30 : vector<256x128xf32>
    %reduce_sum3A_32 = vector.shape_cast %mul3A_31 : vector<256x128xf32> to vector<1x256x128xf32>
    %reduce_sum3A_33 = arith.constant dense<0.000000e+00> : vector<1xf32>
    %reduce_sum3A_34 = vector.multi_reduction <add>, %reduce_sum3A_32, %reduce_sum3A_33 [1, 2] : vector<1x256x128xf32> to vector<1xf32>
    %reduce_sum3A_35 = vector.shape_cast %reduce_sum3A_34 : vector<1xf32> to vector<1x1x1xf32>
    %reduce_sum3A_36 = vector.extract %reduce_sum3A_35[0, 0, 0] : f32 from vector<1x1x1xf32>
    %reduce_sum3A_37 = vector.shape_cast %reduce_sum3A_9 : vector<256x128xf32> to vector<1x256x128xf32>
    %reduce_sum3A_38 = arith.constant dense<0.000000e+00> : vector<1xf32>
    %reduce_sum3A_39 = vector.multi_reduction <add>, %reduce_sum3A_37, %reduce_sum3A_38 [1, 2] : vector<1x256x128xf32> to vector<1xf32>
    %reduce_sum3A_40 = vector.shape_cast %reduce_sum3A_39 : vector<1xf32> to vector<1x1x1xf32>
    %reduce_sum3A_41 = vector.extract %reduce_sum3A_40[0, 0, 0] : f32 from vector<1x1x1xf32>
    %reduce_sum3A_42 = vector.shape_cast %reduce_sum3A_3 : vector<256x128xf32> to vector<1x256x128xf32>
    %reduce_sum3A_43 = arith.constant dense<0.000000e+00> : vector<1xf32>
    %reduce_sum3A_44 = vector.multi_reduction <add>, %reduce_sum3A_42, %reduce_sum3A_43 [1, 2] : vector<1x256x128xf32> to vector<1xf32>
    %reduce_sum3A_45 = vector.shape_cast %reduce_sum3A_44 : vector<1xf32> to vector<1x1x1xf32>
    %reduce_sum3A_46 = vector.extract %reduce_sum3A_45[0, 0, 0] : f32 from vector<1x1x1xf32>
    %mul3A_47 = arith.constant 2.000000e+00 : f32
    %mul3A_48 = arith.mulf %mul3A_47, %reduce_sum3A_36 : f32
    %mul3A_49 = arith.constant 0x4B800000 : f32
    %mul3A_50 = arith.mulf %mul3A_49, %reduce_sum3A_41 : f32
    %div3A = arith.divf %mul3A_48, %mul3A_50 : f32
    %sub3A = arith.constant 2.000000e+00 : f32
    %sub3A_51 = arith.subf %sub3A, %div3A : f32
    %sub3A_52 = arith.constant 0x4B800000 : f32
    %sub3A_53 = arith.subf %reduce_sum3A_46, %sub3A_52 : f32
    %mul3A_54 = arith.constant 1.000000e-03 : f32
    %mul3A_55 = arith.mulf %sub3A_53, %mul3A_54 : f32
    %add3A_56 = arith.addf %sub3A_51, %mul3A_55 : f32
    %reshape3A = vector.broadcast %add3A_56 : f32 to vector<1x1xf32>
    %swap3A = arith.constant 0 : index
    %swap3A_57 = arith.constant 0 : index
    %swap3A_58 = vector.load %arg2[%swap3A, %swap3A_57] : memref<1x1xf32, #tpu.memory_space<vmem>>, vector<1x1xf32>
    tpu.vector_store %arg2[%swap3A, %swap3A_57], %reshape3A {strides = array<i32>} : memref<1x1xf32, #tpu.memory_space<vmem>>, vector<1x1xf32>,
    return
  }
}

</mosaic_0001>

<sc_bundles>
// kernel: kernel.4.cloned.1.call-start
scs
__scs_entry_jumppad:
0x0: {  	(pc) =	sbr.rel $0x88, $3  }
0x1: {  	(tag) =	ssettag $0x0;
	lr =	simm.s32 $0x1  }
0x2: {  	[smem:$0x3FA0] =	sst lr;
	_ =	strace $0xD0000000  }
0x3: {  	_ = 	snop  }
0x4: {  	_ = 	snop  }
0x5: {  	_ = 	snop  }
0x6: {  	_ = 	snop  }
0x7: {  	_ = 	snop  }
__scs_overlays_trampoline_lowered:
0x8: {  	[smem:$0x3FAF] =	sst s0  }
0x9: {  	[smem:$0x3FB0] =	sst s1  }
0xa: {  	[smem:$0x3FB1] =	sst s2  }
0xb: {  	[smem:$0x3FB2] =	sst s3  }
0xc: {  	[smem:$0x3FB3] =	sst s4  }
0xd: {  	[smem:$0x3FB4] =	sst s5  }
0xe: {  	[smem:$0x3FB5] =	sst s6  }
0xf: {  	[smem:$0x3FB6] =	sst s7  }
0x10: {  	[smem:$0x3FB7] =	sst s8  }
0x11: {  	[smem:$0x3FB8] =	sst s9;
	s0 =	simm.s32 @!p0 $0x0  }
0x12: {  	s1 =	sld [smem:$0x3F9E];
	s0 =	simm.s32 @p0 $0x1  }
0x13: {  	[smem:$0x3FB9] =	sst s0;
	s0 =	simm.s32 @!p1 $0x0  }
0x14: {  	s2 =	sld [smem:$0x3F9D];
	s0 =	simm.s32 @p1 $0x1  }
0x15: {  	[smem:$0x3FBA] =	sst s0;
	s0 =	simm.s32 @!p2 $0x0  }
0x16: {  	s3 =	sld [smem:$0x3FDB];
	s0 =	simm.s32 @p2 $0x1  }
0x17: {  	s4 =	simm.s32 $0x1BF5;
	[smem:$0x3FBC] =	sst s0  }
0x18: {  	s0 =	sld [smem:$0x3F9F];
	_ =	swait.ge [sflag:s4], $0x0  }
0x19: {  	s7 =	sld [smem:$0x3FA0]  }
0x1a: {  	s8 =	sadd.s32 $0xFFFFE003, lr  }
0x1b: {  	s9 =	sadd.s32 $0xFFFFFEF7, lr;
	s5 =	simm.s32 $0xFFFFFFFF;
	p2 =	slt.u32 s8, $0xFFFFF086  }
0x1c: {  	p1 =	slt.u32 s9, $0xF7A;
	s5 =	simm.s32 @!p2 $0x0  }
0x1d: {  	s5 =	simm.s32 @p1 $0x1;
	p0 =	seq.s32 s7, s2  }
0x1e: {  	s7 =	smul.u32 @!p0 $0xF7A, s2;
	p2 =	seq.s32 @!p0 s5, $0x0  }
0x1f: {  	s9 =	smul.u32 $0xF7A, s1;
	s8 =	simm.s32 @!p0 $0x1BF5;
	p2 =	por !p2, p0  }
0x20: {  	[sflag:s8] =	ssyncset.s32 @!p0 $0xFFFFF086;
	s6 =	sadd.s32 @!p0 s3, s7;
	s7 =	simm.s32 @!p0 $0x108  }
0x21: {  	s3 =	sadd.s32 s3, s9;
	s6 =	sadd.s32 @!p0 $0x88, s6;
	s7 =	simm.s32 @p2 $0x1082  }
0x22: {  	[simem:s7], [sflag:s8] =	dma.local @!p0 [hbm:s6], $0xF7A  }
0x23: {  	s9 =	sor.u32 $0xD0000000, s2;
	s6 =	simm.s32 $0x108;
	_ =	swait.ge @!p0 [sflag:s8], $0x0  }
0x24: {  	s3 =	sadd.s32 $0x88, s3;
	s6 =	simm.s32 @!p1 $0x1082;
	[sflag:s4] =	ssyncset.s32 $0xFFFFF086  }
0x25: {  	[simem:s6], [sflag:s4] =	dma.local [hbm:s3], $0xF7A  }
0x26: {  	[smem:$0x3FA0] =	sst s1;
	(tag) =	ssettag s2;
	_ =	strace s9  }
0x27: {  	s1 =	sld [smem:$0x3FB0]  }
0x28: {  	s2 =	sld [smem:$0x3FB1]  }
0x29: {  	s4 =	sld [smem:$0x3FB3]  }
0x2a: {  	p0 =	seq.s32 s5, $0x0;
	s5 =	sld [smem:$0x3FB4]  }
0x2b: {  	s6 =	sld [smem:$0x3FB5]  }
0x2c: {  	s7 =	sld [smem:$0x3FB6]  }
0x2d: {  	s3 =	simm.s32 $0x108;
	s8 =	sld [smem:$0x3FB7]  }
0x2e: {  	s3 =	simm.s32 @!p0 $0x1082;
	s9 =	sld [smem:$0x3FB8]  }
0x2f: {  	lr =	sadd.s32 s0, s3;
	s0 =	sld [smem:$0x3FAF]  }
0x30: {  	s3 =	sld [smem:$0x3FB2]  }
0x31: {  	[smem:$0x3FBB] =	sst s10  }
0x32: {  	s10 =	sld [smem:$0x3FB9];
	_ =	sdelay $0x3  }
0x33: {  	p0 =	seq.s32 s10, $0x1;
	s10 =	sld [smem:$0x3FBB];
	_ =	sdelay $0x3  }
0x34: {  	[smem:$0x3FBB] =	sst s10  }
0x35: {  	s10 =	sld [smem:$0x3FBA];
	_ =	sdelay $0x3  }
0x36: {  	p1 =	seq.s32 s10, $0x1;
	s10 =	sld [smem:$0x3FBB];
	_ =	sdelay $0x3  }
0x37: {  	[smem:$0x3FBB] =	sst s10  }
0x38: {  	s10 =	sld [smem:$0x3FBC]  }
0x39: {  	_ = 	snop;
	(pc) =	sbr.ind lr, $3  }
0x3a: {  	_ = 	snop  }
0x3b: {  	_ = 	snop  }
0x3c: {  	p2 =	seq.s32 s10, $0x1;
	s10 =	sld [smem:$0x3FBB]  }
0x3d: {  	_ =	shalt  }
0x3e: {  	_ =	shalt  }
0x3f: {  	_ =	shalt  }
0x40: {  	_ =	shalt  }
0x41: {  	_ =	shalt  }
0x42: {  	_ =	shalt  }
0x43: {  	_ =	shalt  }
0x44: {  	_ =	shalt  }
0x45: {  	_ =	shalt  }
0x46: {  	_ =	shalt  }
0x47: {  	_ =	shalt  }
0x48: {  	_ =	shalt  }
0x49: {  	_ =	shalt  }
0x4a: {  	_ =	shalt  }
0x4b: {  	_ =	shalt  }
0x4c: {  	_ =	shalt  }
0x4d: {  	_ =	shalt  }
0x4e: {  	_ =	shalt  }
0x4f: {  	_ =	shalt  }
0x50: {  	_ =	shalt  }
0x51: {  	_ =	shalt  }
0x52: {  	_ =	shalt  }
0x53: {  	_ =	shalt  }
0x54: {  	_ =	shalt  }
0x55: {  	_ =	shalt  }
0x56: {  	_ =	shalt  }
0x57: {  	_ =	shalt  }
0x58: {  	_ =	shalt  }
0x59: {  	_ =	shalt  }
0x5a: {  	_ =	shalt  }
0x5b: {  	_ =	shalt  }
0x5c: {  	_ =	shalt  }
0x5d: {  	_ =	shalt  }
0x5e: {  	_ =	shalt  }
0x5f: {  	_ =	shalt  }
0x60: {  	_ =	shalt  }
0x61: {  	_ =	shalt  }
0x62: {  	_ =	shalt  }
0x63: {  	_ =	shalt  }
0x64: {  	_ =	shalt  }
0x65: {  	_ =	shalt  }
0x66: {  	_ =	shalt  }
0x67: {  	_ =	shalt  }
0x68: {  	_ =	shalt  }
0x69: {  	_ =	shalt  }
0x6a: {  	_ =	shalt  }
0x6b: {  	_ =	shalt  }
0x6c: {  	_ =	shalt  }
0x6d: {  	_ =	shalt  }
0x6e: {  	_ =	shalt  }
0x6f: {  	_ =	shalt  }
0x70: {  	_ =	shalt  }
0x71: {  	_ =	shalt  }
0x72: {  	_ =	shalt  }
0x73: {  	_ =	shalt  }
0x74: {  	_ =	shalt  }
0x75: {  	_ =	shalt  }
0x76: {  	_ =	shalt  }
0x77: {  	_ =	shalt  }
0x78: {  	_ =	shalt  }
0x79: {  	_ =	shalt  }
0x7a: {  	_ =	shalt  }
0x7b: {  	_ =	shalt  }
0x7c: {  	_ =	shalt  }
0x7d: {  	_ =	shalt  }
0x7e: {  	_ =	shalt  }
0x7f: {  	_ =	shalt  }
0x80: {  	_ =	shalt  }
0x81: {  	_ =	shalt  }
0x82: {  	_ =	shalt  }
0x83: {  	_ =	shalt  }
0x84: {  	_ =	shalt  }
0x85: {  	_ =	shalt  }
0x86: {  	_ =	shalt  }
0x87: {  	_ =	shalt  }
.Lfunc_end0:
.L_simem_size_0:
called_computation_lowered:
.L_overlay_start_0:
0x88: {  	s2 =	sld [smem:$0x3FD9]  }
0x89: {  	s3 =	sld [smem:$0x3FFE];
	_ =	sdelay $0x1  }
0x8a: {  	s1 =	srdreg.scid  }
0x8b: {  	s0 =	sand.u32 $0x1, s1  }
0x8c: {  	s17 =	sshll.u32 s0, $0xA;
	s2 =	sadd.s32 s3, s2  }
0x8d: {  	s2 =	sadd.s32 s2, s17  }
0x8e: {  	[smem:$0x3FC7] =	sst s2  }
0x8f: {  	_ = 	snop  }
0x90: {  	s2 =	sld [smem:$0x3FC9];
	(tm) =	ssettm $0x1  }
0x91: {  	s18 =	sld [smem:$0x3FFB];
	_ =	sdelay $0x3  }
0x92: {  	_ =	strace s18  }
0x93: {  	s3 =	sld [smem:$0x3FFC];
	_ =	sdelay $0x3  }
0x94: {  	_ =	strace s3  }
0x95: {  	s3 =	sld [smem:$0x3FFD];
	_ =	sdelay $0x3  }
0x96: {  	_ =	strace s3  }
0x97: {  	_ =	strace $0x8FFFFFFF  }
0x98: {  	s19 =	sld [smem:$0x3FDB];
	_ =	sdelay $0x1  }
0x99: {  	s4 =	simm.s32 $_scs_section_size  }
0x9a: {  	s5 =	simm.s32 $_size__tile_overlayer_lowered;
	s6 =	simm.s32 $_tile_overlayer_lowered  }
0x9b: {  	s22 =	simm.s32 $0x1BFF;
	s21 =	sshll.u32 s6, $0x1;
	s3 =	sadd.s32 s4, s19  }
0x9c: {  	s7 =	simm.s32 $0x0;
	s20 =	sshll.u32 s5, $0x1;
	s5 =	sadd.s32 s21, s3  }
0x9d: {  	[timem:s7], [sflag:s22] =	dma.local [hbm:s5], s20  }
0x9e: {  	_ =	swait.ge [sflag:s22], s20  }
0x9f: {  	s4 =	ssub.s32 $0x0, s20;
	[sflag:s22] =	ssyncset.done $0x0  }
0xa0: {  	[sflag:s22] =	ssyncadd.s32 s4;
	_ =	sdelay $0x1  }
0xa1: {  	s23 =	simm.s32 $0x1B8B  }
0xa2: {  	_ =	swait.ge [sflag:s23], $0x1  }
0xa3: {  	[sflag:s23] =	ssyncset.done $0x0  }
0xa4: {  	s25 =	simm.s32 $0x1B8E;
	s24 =	sld [smem:$0x3FFE];
	[sflag:s23] =	ssyncadd.s32 $0xFFFFFFFF  }
0xa5: {  	s26 =	simm.s32 $execute0_lowered;
	[smem:$0x3FD2] =	sst s25  }
0xa6: {  	s5 =	sshll.u32 s26, $0x1;
	_ =	strace $0x80000046;
	[dreg:$0x1] =	wrdreg $0xFFFFFFFF  }
0xa7: {  	s28 =	simm.s32 $_size_execute0_lowered;
	s3 =	sadd.s32 s3, s5;
	[dreg:$0x0] =	wrdreg $0x0  }
0xa8: {  	s5 =	sshll.u32 s28, $0x1;
	[dreg:$0x2] =	wrdreg s3  }
0xa9: {  	[dreg:$0x3] =	wrdreg s5  }
0xaa: {  	[dreg:$0x4] =	wrdreg $0xC0  }
0xab: {  	_ =	task [dreg:s7], $0x5FFFF  }
0xac: {  	[dreg:$0x1] =	wrdreg $0xFFFFFFFF  }
0xad: {  	[dreg:$0x0] =	wrdreg $0x60  }
0xae: {  	[dreg:$0x2] =	wrdreg s2  }
0xaf: {  	[dreg:$0x3] =	wrdreg s24  }
0xb0: {  	[dreg:$0x4] =	wrdreg $0x9  }
0xb1: {  	_ =	task.clear_ibuf [dreg:s7], $0x5FFFF;
	_ =	strace $0x90000046  }
0xb2: {  	s29 =	simm.s32 $0x9;
	_ =	strace $0x80000048  }
0xb3: {  	_ =	swait.ge [sflag:s29], $0x1  }
0xb4: {  	[sflag:s29] =	ssyncadd.s32 $0xFFFFFFFF  }
0xb5: {  	_ =	strace $0x90000048  }
0xb6: {  	_ =	sfence  }
0xb7: {  	s30 =	sld [smem:$0x0];
	_ =	sdelay $0x2  }
0xb8: {  	s31 =	sshll.u32 s1, $0xD;
	s1 =	sshrl.u32 s1, $0x2  }
0xb9: {  	s3 =	sand.u32 $0x4000, s31;
	s1 =	sadd.s32 s1, s30  }
0xba: {  	s0 =	sor.u32 s3, s0;
	s1 =	sshll.u32 s1, $0x11  }
0xbb: {  	s0 =	sor.u32 s1, s0  }
0xbc: {  	s0 =	sadd.s32 $0x8F2B, s0  }
0xbd: {  	[sflag:s0] =	ssyncadd.remote.s32 $0x1  }
0xbe: {  	_ =	sfence.sel $0xFFFF  }
0xbf: {  	[dreg:$0x0] =	wrdreg $0xFFFFFFFF;
	(pc) =	sbr.abs _section_cstart, $3  }
0xc0: {  	[dreg:$0x1] =	wrdreg $0xFFFFFFFF  }
0xc1: {  	_ =	task.clear_ibuf [dreg:s7], $0x2FFFF;
	_ =	strace $0x9FFFFFFF  }
0xc2: {  	(tm) =	ssettm $0x7FFFFFFF  }
0xc3: {  	_ =	shalt  }
tec
execute0_lowered:
.L_overlay_start_1:
0x0: {  	(tag) =	ssettag $0x1  }
0x1: {  	s2 =	rddreg [dreg:$0x0]  }
0x2: {  	s1 =	srdreg.scid;
	s0 =	stileid.u32  }
0x3: {  	s4 =	rddreg [dreg:$0x1];
	s3 =	simm.s32 $0x0;
	s10 =	simm.s32 $0x1  }
0x4: {  	s11 =	simm.s32 $0x4000;
	s12 =	simm.s32 $0x8000;
	s13 =	simm.s32 $0x10000  }
0x5: {  	s14 =	simm.s32 $0x2;
	s15 =	simm.s32 $0x3;
	s16 =	simm.s32 $0x0  }
0x6: {  	s5 =	sand.u32 $0x1, s1;
	s6 =	sshll.u32 s0, $0x1;
	s1 =	rddreg [dreg:$0x2]  }
0x7: {  	[smem:$0x7FF] =	sst s3;
	s6 =	sor.u32 s5, s6;
	s5 =	ssub.s32 $0x2, s5  }
0x8: {  	_ =	strace $0x80000047;
	s7 =	sshll.u32 s6, $0xC;
	s30 =	sshrl.u32 s5, $0x1  }
0x9: {  	s31 =	sshll.u32 s6, $0x10;
	s8 =	sadd.s32 s7, s4;
	s4 =	sshll.u32 s6, $0x9  }
0xa: {  	s9 =	ssub.s32 s5, s30;
	s5 =	sadd.s32 s2, s31;
	s6 =	sor.u32 $0x20, s4  }
0xb: {  	v0 =	vimm.f32 $0.0e+00;
	v1 =	vlaneseq.u32;
	v2 =	vimm.f32 $1.000000000e+00;
	s7 =	sadd.s32 $0xC00, s8;
	s8 =	sadd.s32 $0x20C00, s8;
	s9 =	smax.u32 s9, $0x1  }
.LBB2_1:
0xc: {  	[tilespmem:s3], [sflag:$0x1] =	stream.linear.gather [hbm4b:s5+s3], $0x4000, $0x38;
	[tilespmem:$0x18000] =	vst v63  }
0xd: {  	s17 =	simm.s32 $0x8020  }
0xe: {  	[tilespmem:s17+$0xFFFFFFF0] =	vst v0  }
0xf: {  	[tilespmem:s17+$0x0] =	vst v0  }
0x10: {  	[tilespmem:s17+$0x10] =	vst v0  }
0x11: {  	s18 =	simm.s32 $0x10020;
	[tilespmem:s17+$0xFFFFFFE0] =	vst v0  }
0x12: {  	[tilespmem:s18+$0xFFFFFFF0] =	vst v0  }
0x13: {  	[tilespmem:s18+$0x0] =	vst v0  }
0x14: {  	[tilespmem:s18+$0x10] =	vst v0  }
0x15: {  	s19 =	simm.s32 $0x0;
	s20 =	simm.s32 $0x8060;
	[tilespmem:s18+$0xFFFFFFE0] =	vst v0  }
.LBB2_2:
0x16: {  	[tilespmem:s20+$0xFFFFFFF0] =	vst v0;
	s18 =	sadd.s32 $0x40, s18  }
0x17: {  	s19 =	sadd.s32 $0x4, s19;
	[tilespmem:s18+$0xFFFFFFF0] =	vst v0  }
0x18: {  	p0 =	slt.u32 s19, $0x7FC;
	[tilespmem:s20+$0x0] =	vst v0  }
.Ltmp0:
0x19: {  	[tilespmem:s18+$0x0] =	vst v0;
	(pc) =	sbr.rel @p0 .LBB2_2-.Ltmp0, $4  }
0x1a: {  	[tilespmem:s20+$0x10] =	vst v0  }
0x1b: {  	[tilespmem:s18+$0x10] =	vst v0  }
0x1c: {  	[tilespmem:s20+$0xFFFFFFE0] =	vst v0  }
0x1d: {  	s17 =	simm.s32 $0x0;
	s20 =	sadd.s32 $0x40, s20;
	[tilespmem:s18+$0xFFFFFFE0] =	vst v0  }
0x1e: {  	s18 =	simm.s32 $0x0  }
.LBB2_4:
0x1f: {  	s19 =	sshll.u32 s18, $0x5  }
0x20: {  	s20 =	sadd.s32 s19, s4  }
0x21: {  	_ =	swait.ge [sflag:s10], $0x4000;
	s20 =	sshll.u32 s20, $0x7  }
0x22: {  	[sflag:s10] =	ssyncset.done $0x0;
	s20 =	sadd.s32 s2, s20  }
0x23: {  	s28 =	simm.s32 $0x0;
	[sflag:s10] =	ssyncadd.s32 $0xFFFFC000;
	s20 =	sadd.s32 $0x800, s20  }
0x24: {  	[tilespmem:s11], [sflag:$0x2] =	stream.linear.gather [hbm4b:s20+s17], $0x4000, $0x38;
	[tilespmem:$0x18000] =	vst v63  }
0x25: {  	s21 =	sand.u32 $0x1C00, s17;
	s22 =	simm.s32 $0x0;
	s20 =	sand.u32 $0x2000, s28  }
0x26: {  	s22 =	sand.u32 $0x380, s22;
	s20 =	sor.u32 s21, s20  }
0x27: {  	s29 =	sand.u32 $0x40, s17;
	s20 =	sor.u32 s22, s20  }
0x28: {  	s20 =	sor.u32 s29, s20  }
0x29: {  	v3 =	vld [tilespmem:s20+$0x30];
	_ =	sdelay $0x4  }
0x2a: {  	v4 =	vld [tilespmem:s20+$0x0];
	v3 =	vadd.f32 $9.999999680e-21, v3;
	_ =	sdelay $0x1  }
0x2b: {  	v5 =	vld [tilespmem:s20+$0x10];
	v7 =	vand.u32 $0x7FFFFFFF, v3  }
0x2c: {  	s30 =	simm.s32 $0x40;
	v6 =	vld [tilespmem:s20+$0x20];
	s20 =	simm.s32 $0x200;
	v3 =	vshrl.u32 v7, $0x10  }
0x2d: {  	s23 =	simm.s32 $0x8;
	s21 =	sand.u32 $0x2000, s30;
	s31 =	sand.u32 $0x1C00, s20;
	v3 =	vand.u32 $0x7FF0, v3  }
0x2e: {  	s23 =	sand.u32 $0x380, s23;
	s22 =	sor.u32 s31, s21;
	s21 =	simm.s32 $0x40;
	v8 =	vor.u32 v1, v3;
	v3 =	vadd.f32 $9.999999680e-21, v4  }
0x2f: {  	s24 =	sand.u32 $0x40, s21;
	s22 =	sor.u32 s23, s22  }
0x30: {  	s23 =	sor.u32 s24, s22;
	v4 =	vadd.f32 $9.999999680e-21, v5;
	v5 =	vand.u32 $0x7FFFFFFF, v3  }
0x31: {  	v6 =	vadd.f32 $9.999999680e-21, v6;
	v12 =	vld [tilespmem:s23+$0x30];
	v9 =	vshrl.u32 v5, $0x10  }
0x32: {  	v11 =	vld [tilespmem:s23+$0x0];
	v4 =	vand.u32 $0x7FFFFFFF, v4;
	v9 =	vand.u32 $0x7FF0, v9  }
0x33: {  	v10 =	vld [tilespmem:s23+$0x10];
	v3 =	vand.u32 $0x7FFFFFFF, v6;
	v6 =	vshrl.u32 v4, $0x10;
	v9 =	vor.u32 v1, v9  }
0x34: {  	v6 =	vand.u32 $0x7FF0, v6;
	[tilespmem:v8+s12+$0x0] =	vst.idx.add.f32.msk $0xffff, v2  }
0x35: {  	v13 =	vshrl.u32 v3, $0x10;
	[tilespmem:v8+s13+$0x0] =	vst.idx.add.f32.msk $0xffff, v7;
	v7 =	vor.u32 v1, v6  }
0x36: {  	v13 =	vand.u32 $0x7FF0, v13  }
0x37: {  	s22 =	simm.s32 $0x4;
	v12 =	vadd.f32 $9.999999680e-21, v12;
	v6 =	vor.u32 v1, v13;
	v8 =	vld [tilespmem:s23+$0x20]  }
.LBB2_5:
0x38: {  	s22 =	sadd.s32 $0x4, s22;
	v11 =	vadd.f32 $9.999999680e-21, v11;
	[tilespmem:v9+s12+$0x0] =	vst.idx.add.f32.msk $0xffff, v2  }
0x39: {  	s20 =	sadd.s32 $0x200, s20;
	s23 =	sshll.u32 s22, $0x4;
	p0 =	slt.u32 s22, $0x3FC;
	v10 =	vadd.f32 $9.999999680e-21, v10;
	v12 =	vand.u32 $0x7FFFFFFF, v12;
	[tilespmem:v9+s13+$0x0] =	vst.idx.add.f32.msk $0xffff, v5  }
0x3a: {  	s24 =	sand.u32 $0x1C00, s20;
	s25 =	sshll.u32 s22, $0x1;
	s23 =	sand.u32 $0x2000, s23;
	v5 =	vand.u32 $0x7FFFFFFF, v11;
	v9 =	vshrl.u32 v12, $0x10;
	[tilespmem:v7+s12+$0x0] =	vst.idx.add.f32.msk $0xffff, v2  }
0x3b: {  	s21 =	sadd.s32 $0x40, s21;
	s25 =	sand.u32 $0x380, s25;
	s23 =	sor.u32 s24, s23;
	v11 =	vshrl.u32 v5, $0x10;
	v9 =	vand.u32 $0x7FF0, v9;
	[tilespmem:v7+s13+$0x0] =	vst.idx.add.f32.msk $0xffff, v4;
	v4 =	vand.u32 $0x7FFFFFFF, v10  }
0x3c: {  	s24 =	sand.u32 $0x40, s21;
	s23 =	sor.u32 s25, s23;
	v7 =	vshrl.u32 v4, $0x10;
	v8 =	vadd.f32 $9.999999680e-21, v8;
	v13 =	vor.u32 v1, v9;
	[tilespmem:v6+s12+$0x0] =	vst.idx.add.f32.msk $0xffff, v2  }
0x3d: {  	v9 =	vand.u32 $0x7FF0, v11;
	s23 =	sor.u32 s24, s23;
	v7 =	vand.u32 $0x7FF0, v7;
	[tilespmem:v6+s13+$0x0] =	vst.idx.add.f32.msk $0xffff, v3  }
0x3e: {  	v9 =	vor.u32 v1, v9;
	v14 =	vld [tilespmem:s23+$0x30];
	v7 =	vor.u32 v1, v7;
	v3 =	vand.u32 $0x7FFFFFFF, v8  }
.Ltmp1:
0x3f: {  	v11 =	vld [tilespmem:s23+$0x0];
	v6 =	vshrl.u32 v3, $0x10;
	(pc) =	sbr.rel @p0 .LBB2_5-.Ltmp1, $4  }
0x40: {  	v10 =	vld [tilespmem:s23+$0x10];
	v6 =	vand.u32 $0x7FF0, v6  }
0x41: {  	v6 =	vor.u32 v1, v6;
	[tilespmem:v13+s12+$0x0] =	vst.idx.add.f32.msk $0xffff, v2  }
0x42: {  	[tilespmem:v13+s13+$0x0] =	vst.idx.add.f32.msk $0xffff, v12  }
0x43: {  	v8 =	vld [tilespmem:s23+$0x20];
	v12 =	vadd.f32 $9.999999680e-21, v14  }
0x44: {  	_ =	sdelay $0x1  }
0x45: {  	v11 =	vadd.f32 $9.999999680e-21, v11;
	v12 =	vand.u32 $0x7FFFFFFF, v12  }
0x46: {  	v13 =	vshrl.u32 v12, $0x10  }
0x47: {  	[tilespmem:v9+s12+$0x0] =	vst.idx.add.f32.msk $0xffff, v2;
	v10 =	vadd.f32 $9.999999680e-21, v10;
	v11 =	vand.u32 $0x7FFFFFFF, v11;
	v13 =	vand.u32 $0x7FF0, v13  }
0x48: {  	[tilespmem:v9+s13+$0x0] =	vst.idx.add.f32.msk $0xffff, v5;
	v5 =	vshrl.u32 v11, $0x10;
	v9 =	vor.u32 v1, v13  }
0x49: {  	[tilespmem:v7+s12+$0x0] =	vst.idx.add.f32.msk $0xffff, v2;
	v10 =	vand.u32 $0x7FFFFFFF, v10;
	v8 =	vadd.f32 $9.999999680e-21, v8;
	v5 =	vand.u32 $0x7FF0, v5  }
0x4a: {  	[tilespmem:v7+s13+$0x0] =	vst.idx.add.f32.msk $0xffff, v4;
	v4 =	vshrl.u32 v10, $0x10;
	v5 =	vor.u32 v1, v5  }
0x4b: {  	[tilespmem:v6+s12+$0x0] =	vst.idx.add.f32.msk $0xffff, v2;
	v4 =	vand.u32 $0x7FF0, v4;
	v7 =	vand.u32 $0x7FFFFFFF, v8  }
0x4c: {  	[tilespmem:v6+s13+$0x0] =	vst.idx.add.f32.msk $0xffff, v3;
	v3 =	vor.u32 v1, v4;
	v4 =	vshrl.u32 v7, $0x10  }
0x4d: {  	v4 =	vand.u32 $0x7FF0, v4;
	[tilespmem:v9+s12+$0x0] =	vst.idx.add.f32.msk $0xffff, v2  }
0x4e: {  	v4 =	vor.u32 v1, v4;
	[tilespmem:v9+s13+$0x0] =	vst.idx.add.f32.msk $0xffff, v12  }
0x4f: {  	[tilespmem:v5+s12+$0x0] =	vst.idx.add.f32.msk $0xffff, v2  }
0x50: {  	[tilespmem:v5+s13+$0x0] =	vst.idx.add.f32.msk $0xffff, v11  }
0x51: {  	[tilespmem:v3+s12+$0x0] =	vst.idx.add.f32.msk $0xffff, v2  }
0x52: {  	[tilespmem:v3+s13+$0x0] =	vst.idx.add.f32.msk $0xffff, v10  }
0x53: {  	[tilespmem:v4+s12+$0x0] =	vst.idx.add.f32.msk $0xffff, v2  }
0x54: {  	p0 =	seq.s32 s18, $0xF;
	[tilespmem:v4+s13+$0x0] =	vst.idx.add.f32.msk $0xffff, v7  }
0x55: {  	s26 =	simm.s32 $0x0;
	s19 =	sadd.s32 @!p0 s19, s6;
	_ =	swait.ge [sflag:s14], $0x4000  }
0x56: {  	s28 =	simm.s32 $0x0;
	s19 =	sshll.u32 @!p0 s19, $0x7;
	[sflag:s14] =	ssyncset.done $0x0  }
0x57: {  	s20 =	simm.s32 @!p0 $0x0;
	s19 =	sadd.s32 @!p0 s2, s19;
	[sflag:s14] =	ssyncadd.s32 $0xFFFFC000  }
0x58: {  	[tilespmem:s20], [sflag:$0x1] =	stream.linear.gather @!p0 [hbm4b:s19+s20], $0x4000, $0x38;
	[tilespmem:$0x18000] =	vst v63  }
0x59: {  	s22 =	simm.s32 $0x0;
	s21 =	sand.u32 $0x1C00, s26;
	s20 =	sand.u32 $0x2000, s28  }
0x5a: {  	s22 =	sand.u32 $0x380, s22;
	s20 =	sor.u32 s21, s20  }
0x5b: {  	s19 =	sand.u32 $0x40, s26;
	s20 =	sor.u32 s22, s20  }
0x5c: {  	s19 =	sor.u32 s19, s20  }
0x5d: {  	v3 =	vld [tilespmem:s19+$0x4030];
	_ =	sdelay $0x4  }
0x5e: {  	v4 =	vld [tilespmem:s19+$0x4000];
	v3 =	vadd.f32 $9.999999680e-21, v3;
	_ =	sdelay $0x1  }
0x5f: {  	v5 =	vld [tilespmem:s19+$0x4010];
	v7 =	vand.u32 $0x7FFFFFFF, v3  }
0x60: {  	s29 =	simm.s32 $0x40;
	v6 =	vld [tilespmem:s19+$0x4020];
	s19 =	simm.s32 $0x200;
	v3 =	vshrl.u32 v7, $0x10  }
0x61: {  	s31 =	simm.s32 $0x8;
	s20 =	sand.u32 $0x2000, s29;
	s30 =	sand.u32 $0x1C00, s19;
	v3 =	vand.u32 $0x7FF0, v3  }
0x62: {  	s22 =	sand.u32 $0x380, s31;
	s21 =	sor.u32 s30, s20;
	s20 =	simm.s32 $0x40;
	v8 =	vor.u32 v1, v3;
	v3 =	vadd.f32 $9.999999680e-21, v4  }
0x63: {  	s23 =	sand.u32 $0x40, s20;
	s21 =	sor.u32 s22, s21  }
0x64: {  	s22 =	sor.u32 s23, s21;
	v4 =	vadd.f32 $9.999999680e-21, v5;
	v5 =	vand.u32 $0x7FFFFFFF, v3  }
0x65: {  	v6 =	vadd.f32 $9.999999680e-21, v6;
	v12 =	vld [tilespmem:s22+$0x4030];
	v9 =	vshrl.u32 v5, $0x10  }
0x66: {  	v11 =	vld [tilespmem:s22+$0x4000];
	v4 =	vand.u32 $0x7FFFFFFF, v4;
	v9 =	vand.u32 $0x7FF0, v9  }
0x67: {  	v10 =	vld [tilespmem:s22+$0x4010];
	v3 =	vand.u32 $0x7FFFFFFF, v6;
	v6 =	vshrl.u32 v4, $0x10;
	v9 =	vor.u32 v1, v9  }
0x68: {  	v6 =	vand.u32 $0x7FF0, v6;
	[tilespmem:v8+s12+$0x0] =	vst.idx.add.f32.msk $0xffff, v2  }
0x69: {  	v13 =	vshrl.u32 v3, $0x10;
	[tilespmem:v8+s13+$0x0] =	vst.idx.add.f32.msk $0xffff, v7;
	v7 =	vor.u32 v1, v6  }
0x6a: {  	v13 =	vand.u32 $0x7FF0, v13  }
0x6b: {  	s21 =	simm.s32 $0x4;
	v12 =	vadd.f32 $9.999999680e-21, v12;
	v6 =	vor.u32 v1, v13;
	v8 =	vld [tilespmem:s22+$0x4020]  }
.LBB2_7:
0x6c: {  	s21 =	sadd.s32 $0x4, s21;
	v11 =	vadd.f32 $9.999999680e-21, v11;
	[tilespmem:v9+s12+$0x0] =	vst.idx.add.f32.msk $0xffff, v2  }
0x6d: {  	s19 =	sadd.s32 $0x200, s19;
	s22 =	sshll.u32 s21, $0x4;
	p0 =	slt.u32 s21, $0x3FC;
	v10 =	vadd.f32 $9.999999680e-21, v10;
	v12 =	vand.u32 $0x7FFFFFFF, v12;
	[tilespmem:v9+s13+$0x0] =	vst.idx.add.f32.msk $0xffff, v5  }
0x6e: {  	s23 =	sand.u32 $0x1C00, s19;
	s24 =	sshll.u32 s21, $0x1;
	s22 =	sand.u32 $0x2000, s22;
	v5 =	vand.u32 $0x7FFFFFFF, v11;
	v9 =	vshrl.u32 v12, $0x10;
	[tilespmem:v7+s12+$0x0] =	vst.idx.add.f32.msk $0xffff, v2  }
0x6f: {  	s20 =	sadd.s32 $0x40, s20;
	s24 =	sand.u32 $0x380, s24;
	s22 =	sor.u32 s23, s22;
	v11 =	vshrl.u32 v5, $0x10;
	v9 =	vand.u32 $0x7FF0, v9;
	[tilespmem:v7+s13+$0x0] =	vst.idx.add.f32.msk $0xffff, v4;
	v4 =	vand.u32 $0x7FFFFFFF, v10  }
0x70: {  	s23 =	sand.u32 $0x40, s20;
	s22 =	sor.u32 s24, s22;
	v7 =	vshrl.u32 v4, $0x10;
	v8 =	vadd.f32 $9.999999680e-21, v8;
	v13 =	vor.u32 v1, v9;
	[tilespmem:v6+s12+$0x0] =	vst.idx.add.f32.msk $0xffff, v2  }
0x71: {  	v9 =	vand.u32 $0x7FF0, v11;
	s22 =	sor.u32 s23, s22;
	v7 =	vand.u32 $0x7FF0, v7;
	[tilespmem:v6+s13+$0x0] =	vst.idx.add.f32.msk $0xffff, v3  }
0x72: {  	v9 =	vor.u32 v1, v9;
	v14 =	vld [tilespmem:s22+$0x4030];
	v7 =	vor.u32 v1, v7;
	v3 =	vand.u32 $0x7FFFFFFF, v8  }
.Ltmp2:
0x73: {  	v11 =	vld [tilespmem:s22+$0x4000];
	v6 =	vshrl.u32 v3, $0x10;
	(pc) =	sbr.rel @p0 .LBB2_7-.Ltmp2, $4  }
0x74: {  	v10 =	vld [tilespmem:s22+$0x4010];
	v6 =	vand.u32 $0x7FF0, v6  }
0x75: {  	v6 =	vor.u32 v1, v6;
	[tilespmem:v13+s12+$0x0] =	vst.idx.add.f32.msk $0xffff, v2  }
0x76: {  	[tilespmem:v13+s13+$0x0] =	vst.idx.add.f32.msk $0xffff, v12  }
0x77: {  	v8 =	vld [tilespmem:s22+$0x4020];
	v12 =	vadd.f32 $9.999999680e-21, v14  }
0x78: {  	_ =	sdelay $0x1  }
0x79: {  	v11 =	vadd.f32 $9.999999680e-21, v11;
	v12 =	vand.u32 $0x7FFFFFFF, v12  }
0x7a: {  	v13 =	vshrl.u32 v12, $0x10  }
0x7b: {  	[tilespmem:v9+s12+$0x0] =	vst.idx.add.f32.msk $0xffff, v2;
	v10 =	vadd.f32 $9.999999680e-21, v10;
	v11 =	vand.u32 $0x7FFFFFFF, v11;
	v13 =	vand.u32 $0x7FF0, v13  }
0x7c: {  	[tilespmem:v7+s12+$0x0] =	vst.idx.add.f32.msk $0xffff, v2;
	v59 =	vshrl.u32 v11, $0x10;
	v60 =	vor.u32 v1, v13  }
0x7d: {  	[tilespmem:v9+s13+$0x0] =	vst.idx.add.f32.msk $0xffff, v5;
	v10 =	vand.u32 $0x7FFFFFFF, v10;
	v8 =	vadd.f32 $9.999999680e-21, v8;
	v5 =	vand.u32 $0x7FF0, v59  }
0x7e: {  	[tilespmem:v6+s12+$0x0] =	vst.idx.add.f32.msk $0xffff, v2;
	v61 =	vshrl.u32 v10, $0x10;
	v5 =	vor.u32 v1, v5  }
0x7f: {  	[tilespmem:v7+s13+$0x0] =	vst.idx.add.f32.msk $0xffff, v4;
	v4 =	vand.u32 $0x7FF0, v61;
	v62 =	vand.u32 $0x7FFFFFFF, v8  }
0x80: {  	[tilespmem:v6+s13+$0x0] =	vst.idx.add.f32.msk $0xffff, v3;
	v3 =	vor.u32 v1, v4;
	v63 =	vshrl.u32 v62, $0x10  }
0x81: {  	v4 =	vand.u32 $0x7FF0, v63;
	[tilespmem:v60+s12+$0x0] =	vst.idx.add.f32.msk $0xffff, v2  }
0x82: {  	s18 =	sadd.s32 $0x1, s18;
	v4 =	vor.u32 v1, v4;
	[tilespmem:v60+s13+$0x0] =	vst.idx.add.f32.msk $0xffff, v12  }
0x83: {  	p0 =	sne.s32 s18, $0x10;
	[tilespmem:v5+s12+$0x0] =	vst.idx.add.f32.msk $0xffff, v2  }
.Ltmp3:
0x84: {  	[tilespmem:v5+s13+$0x0] =	vst.idx.add.f32.msk $0xffff, v11;
	(pc) =	sbr.rel @p0 .LBB2_4-.Ltmp3, $4  }
0x85: {  	[tilespmem:v3+s12+$0x0] =	vst.idx.add.f32.msk $0xffff, v2  }
0x86: {  	[tilespmem:v3+s13+$0x0] =	vst.idx.add.f32.msk $0xffff, v10  }
0x87: {  	[tilespmem:v4+s12+$0x0] =	vst.idx.add.f32.msk $0xffff, v2  }
0x88: {  	[tilespmem:v4+s13+$0x0] =	vst.idx.add.f32.msk $0xffff, v62  }
0x89: {  	[hbm4b:s7+s3] =	stream.linear.scatter [tilespmem:s12], [sflag:$0x3], $0x8000, $0x38;
	[tilespmem:$0x18000] =	vst v63  }
0x8a: {  	s16 =	sadd.s32 $0x1, s16;
	_ =	swait.ge [sflag:s15], $0x8000  }
0x8b: {  	p0 =	sne.s32 s16, s9;
	[sflag:s15] =	ssyncset.done $0x0  }
.Ltmp4:
0x8c: {  	[sflag:s15] =	ssyncadd.s32 $0xFFFF8000;
	(pc) =	sbr.rel @p0 .LBB2_1-.Ltmp4, $4  }
0x8d: {  	[hbm4b:s8+s3] =	stream.linear.scatter [tilespmem:s13], [sflag:$0x3], $0x8000, $0x38;
	[tilespmem:$0x18000] =	vst v63  }
0x8e: {  	_ =	swait.ge [sflag:s15], $0x8000  }
0x8f: {  	[sflag:s15] =	ssyncset.done $0x0  }
0x90: {  	[sflag:s15] =	ssyncadd.s32 $0xFFFF8000  }
0x91: {  	_ =	sfence.sel $0x180000  }
0x92: {  	[bflag:$0x0] =	sbarrier.arrive $0xFFFF  }
0x93: {  	p0 =	sne.s32 s0, $0x0;
	_ =	strace $0x90000047  }
0x94: {  	s0 =	sadd.s32 @!p0 $0x100000, s1;
	[bflag:$0x2] =	sbarrier.arrive $0xFFFF  }
0x95: {  	[sflag:s0] =	ssyncadd.tile.s32 @!p0 $0x1;
	_ =	shalt  }
.Lfunc_end2:
_tile_overlayer_lowered:
.L_overlay_start_2:
0x96: {  	(tag) =	ssettag $0x2  }
0x97: {  	s0 =	rddreg [dreg:$0x0];
	s2 =	stileid.u32  }
0x98: {  	s1 =	rddreg [dreg:$0x1];
	p0 =	sne.s32 s2, $0x0  }
0x99: {  	s3 =	rddreg [dreg:$0x2];
	[bflag:$0x3] =	sbarrier.arrive $0xFFFF;
	s2 =	simm.s32 @!p0 $0x1C03  }
0x9a: {  	[timem:s3], [sflag:s2] =	dma.local @!p0 [hbm:s0], s1  }
0x9b: {  	s0 =	simm.s32 @!p0 $0x3  }
0x9c: {  	_ =	swait.ge @!p0 [sflag:s0], s1  }
0x9d: {  	s1 =	ssub.s32 @!p0 $0x0, s1;
	[sflag:s0] =	ssyncset.done @!p0 $0x0  }
0x9e: {  	[sflag:s0] =	ssyncadd.s32 @!p0 s1  }
0x9f: {  	[bflag:$0x3] =	sbarrier.arrive $0xFFFF  }
0xa0: {  	_ =	shalt  }

</sc_bundles>
